<compile_context>
chip_gen: v7x
topology: tpu7x:2x2x1
jax: 0.10.2.dev20260603
libtpu: 0.0.44.dev20260713+nightly
codegen_flags: <defaults>
</compile_context>

<pallas_src>
import functools
import math

import jax
import jax.numpy as jnp
from jax import lax
from jax.experimental import pallas as pl
from jax.experimental.pallas import tpu as pltpu
from jax.experimental.pallas import tpu_sc as plsc

GX, GY, Z = 512, 512, 256
NC, NS = 2, 16
NW = NC * NS
ROWS = GX * GY
RPW = ROWS // NW
CH = 64
NCH = RPW // CH
NBUF = 4

_mesh = plsc.VectorSubcoreMesh(core_axis_name="c", subcore_axis_name="s")


def kernel(x, t, W, gx, gy):
    wf = W.reshape(ROWS, Z)

    @functools.partial(
        pl.kernel,
        mesh=_mesh,
        out_type=jax.ShapeDtypeStruct((GX, GY), jnp.float32),
        scratch_types=[
            pltpu.VMEM((NBUF, CH, Z), jnp.float32),
        ] + [pltpu.SemaphoreType.DMA] * NBUF,
    )
    def sc_run(w_hbm, out_hbm, buf, *sems):
        c = lax.axis_index("c")
        s = lax.axis_index("s")
        wid = s * NC + c
        base = wid * RPW

        for b in range(NBUF):
            pltpu.make_async_copy(
                w_hbm.at[pl.ds(base + b * CH, CH)], buf.at[b], sems[b]
            ).start()

        def step(g, carry):
            for b in range(NBUF):
                ch = NBUF * g + b
                pltpu.make_async_copy(
                    w_hbm.at[pl.ds(base + ch * CH, CH)], buf.at[b], sems[b]
                ).wait()

                @pl.when(ch + NBUF < NCH)
                def _():
                    pltpu.make_async_copy(
                        w_hbm.at[pl.ds(base + (ch + NBUF) * CH, CH)],
                        buf.at[b],
                        sems[b],
                    ).start()

            return carry

        lax.fori_loop(0, NCH // NBUF, step, jnp.int32(0))

    BR = 8192
    NB = ROWS // BR

    def _tc_body(w_ref, out_ref, acc):
        pb = pl.program_id(0)

        @pl.when(pb == 0)
        def _():
            acc[0] = jnp.float32(0.0)

        acc[0] = acc[0] + w_ref[0, 0]

        @pl.when(pb == NB - 1)
        def _():
            out_ref[...] = jnp.full((GX, GY), acc[0], jnp.float32)

    sc_out = sc_run(wf)
    tc_out = pl.pallas_call(
        _tc_body,
        grid=(NB,),
        in_specs=[pl.BlockSpec((BR, Z), lambda i: (i, 0))],
        out_specs=pl.BlockSpec((GX, GY), lambda i: (0, 0)),
        out_shape=jax.ShapeDtypeStruct((GX, GY), jnp.float32),
        scratch_shapes=[pltpu.SMEM((1,), jnp.float32)],
    )(wf)
    return tc_out + sc_out

# --- scband reference (transcript-rebuilt; emitter-appended) ---
"""Pipeline reference for scband-som-77489799955015 (READ-ONLY COPY).

The authoritative reference and input builder live on the scoring server;
editing this copy changes nothing except your own understanding.
"""

import math
import jax, jax.numpy as jnp
import numpy as np

GX, GY, Z = 512, 512, 256
SIGMA = 2.0


def setup_inputs(seed: int = 0) -> dict:
    key = jax.random.key(seed)
    k1, k2 = jax.random.split(key)
    x = jax.random.normal(k1, (Z,), dtype=jnp.float32)
    # Learned/"parameter" tensors per __init__: weight lattice W and meshgrid buffers
    W = jax.random.normal(k2, (GX, GY, Z), dtype=jnp.float32)
    gx, gy = jnp.meshgrid(
        jnp.arange(GX, dtype=jnp.float32),
        jnp.arange(GY, dtype=jnp.float32),
        indexing='ij',
    )
    t = 10
    return {"x": x, "t": t, "W": W, "gx": gx, "gy": gy}


def reference(x, t, W, gx, gy):
    # Competitive process: find winner neuron (closest code to x)
    dn = jnp.linalg.norm(x - W, ord=2, axis=-1)  # [GX, GY]
    flat = jnp.argmin(dn)
    i, j = jnp.unravel_index(flat, dn.shape)
    # Neighbourhood with exponentially decayed sigma
    time_const = 1000.0 / math.log(SIGMA)
    decay = SIGMA * jnp.exp(-t / time_const)
    denom = (2.0 * decay * decay).astype(jnp.float32)
    dx = jnp.power(gx - gx.T[i, j], 2)
    dy = jnp.power(gy - gy.T[i, j], 2)
    hx = jnp.exp(-(dx / denom))
    hy = jnp.exp(-(dy / denom))
    return (hx * hy).T

if __name__ == "__main__":
    import jax
    _d = setup_inputs()
    print(jax.jit(kernel)(*tuple(_d.values())))

</pallas_src>

<mosaic_0001>
#map = affine_map<(d0, d1) -> (0, 0)>
module attributes {stable_mosaic.version = 14 : i64} {
  func.func @sc_run(%arg0: i32, %arg1: i32, %arg2: memref<262144x256xf32, #tpu.memory_space<hbm>>, %arg3: memref<512x512xf32, #tpu.memory_space<hbm>>, %arg4: memref<4x64x256xf32, #tpu.memory_space<vmem>>, %arg5: memref<!tpu.dma_semaphore, #tpu.memory_space<semaphore_mem>>, %arg6: memref<!tpu.dma_semaphore, #tpu.memory_space<semaphore_mem>>, %arg7: memref<!tpu.dma_semaphore, #tpu.memory_space<semaphore_mem>>, %arg8: memref<!tpu.dma_semaphore, #tpu.memory_space<semaphore_mem>>) attributes {dimension_semantics = [#tpu.dimension_semantics<core_parallel>, #tpu.dimension_semantics<subcore_parallel>], iteration_bounds = array<i64: 2, 16>, scalar_prefetch = 0 : i64, scratch_operands = 5 : i64, tpu.core_type = #tpu.core_type<sc_vector_subcore>, window_params = [{transform_indices = #map}, {transform_indices = #map}]} {
    %mul3A = arith.constant 2 : i32
    %mul3A_0 = arith.muli %arg1, %mul3A : i32
    %add3A = arith.addi %mul3A_0, %arg0 : i32
    %mul3A_1 = arith.constant 8192 : i32
    %mul3A_2 = arith.muli %add3A, %mul3A_1 : i32
    %add3A_3 = arith.constant 0 : i32
    %add3A_4 = arith.addi %mul3A_2, %add3A_3 : i32
    %dma_start3A = arith.constant 0 : i32
    %dma_start3A_5 = arith.constant 0 : i32
    %dma_start3A_6 = arith.constant 0 : i32
    %dma_start3A_7 = tpu.memref_slice %arg4[%dma_start3A, %dma_start3A_5, %dma_start3A_6] : memref<4x64x256xf32, #tpu.memory_space<vmem>> -> memref<1x64x256xf32, #tpu.memory_space<vmem>>
    %dma_start3A_8 = tpu.memref_squeeze %dma_start3A_7 : memref<1x64x256xf32, #tpu.memory_space<vmem>> -> memref<64x256xf32, #tpu.memory_space<vmem>>
    %dma_start3A_9 = arith.constant 0 : i32
    %dma_start3A_10 = tpu.memref_slice %arg2[%add3A_4, %dma_start3A_9] : memref<262144x256xf32, #tpu.memory_space<hbm>> -> memref<64x256xf32, #tpu.memory_space<hbm>>
    %dma_start3A_11 = arith.constant 0 : i32
    %dma_start3A_12 = arith.constant 0 : i32
    %dma_start3A_13 = tpu.memref_slice %arg4[%dma_start3A, %dma_start3A_11, %dma_start3A_12] : memref<4x64x256xf32, #tpu.memory_space<vmem>> -> memref<1x64x256xf32, #tpu.memory_space<vmem>>
    %dma_start3A_14 = tpu.memref_squeeze %dma_start3A_13 : memref<1x64x256xf32, #tpu.memory_space<vmem>> -> memref<64x256xf32, #tpu.memory_space<vmem>>
    %dma_start3A_15 = arith.constant 0 : i32
    %dma_start3A_16 = tpu.memref_slice %arg2[%add3A_4, %dma_start3A_15] : memref<262144x256xf32, #tpu.memory_space<hbm>> -> memref<64x256xf32, #tpu.memory_space<hbm>>
    tpu.enqueue_dma source(%dma_start3A_16 : memref<64x256xf32, #tpu.memory_space<hbm>>) target(%dma_start3A_14 : memref<64x256xf32, #tpu.memory_space<vmem>>) target_semaphore(%arg5 : memref<!tpu.dma_semaphore, #tpu.memory_space<semaphore_mem>>)
    %add3A_17 = arith.constant 64 : i32
    %add3A_18 = arith.addi %mul3A_2, %add3A_17 : i32
    %dma_start3A_19 = arith.constant 1 : i32
    %dma_start3A_20 = arith.constant 0 : i32
    %dma_start3A_21 = arith.constant 0 : i32
    %dma_start3A_22 = tpu.memref_slice %arg4[%dma_start3A_19, %dma_start3A_20, %dma_start3A_21] : memref<4x64x256xf32, #tpu.memory_space<vmem>> -> memref<1x64x256xf32, #tpu.memory_space<vmem>>
    %dma_start3A_23 = tpu.memref_squeeze %dma_start3A_22 : memref<1x64x256xf32, #tpu.memory_space<vmem>> -> memref<64x256xf32, #tpu.memory_space<vmem>>
    %dma_start3A_24 = arith.constant 0 : i32
    %dma_start3A_25 = tpu.memref_slice %arg2[%add3A_18, %dma_start3A_24] : memref<262144x256xf32, #tpu.memory_space<hbm>> -> memref<64x256xf32, #tpu.memory_space<hbm>>
    %dma_start3A_26 = arith.constant 0 : i32
    %dma_start3A_27 = arith.constant 0 : i32
    %dma_start3A_28 = tpu.memref_slice %arg4[%dma_start3A_19, %dma_start3A_26, %dma_start3A_27] : memref<4x64x256xf32, #tpu.memory_space<vmem>> -> memref<1x64x256xf32, #tpu.memory_space<vmem>>
    %dma_start3A_29 = tpu.memref_squeeze %dma_start3A_28 : memref<1x64x256xf32, #tpu.memory_space<vmem>> -> memref<64x256xf32, #tpu.memory_space<vmem>>
    %dma_start3A_30 = arith.constant 0 : i32
    %dma_start3A_31 = tpu.memref_slice %arg2[%add3A_18, %dma_start3A_30] : memref<262144x256xf32, #tpu.memory_space<hbm>> -> memref<64x256xf32, #tpu.memory_space<hbm>>
    tpu.enqueue_dma source(%dma_start3A_31 : memref<64x256xf32, #tpu.memory_space<hbm>>) target(%dma_start3A_29 : memref<64x256xf32, #tpu.memory_space<vmem>>) target_semaphore(%arg6 : memref<!tpu.dma_semaphore, #tpu.memory_space<semaphore_mem>>)
    %add3A_32 = arith.constant 128 : i32
    %add3A_33 = arith.addi %mul3A_2, %add3A_32 : i32
    %dma_start3A_34 = arith.constant 2 : i32
    %dma_start3A_35 = arith.constant 0 : i32
    %dma_start3A_36 = arith.constant 0 : i32
    %dma_start3A_37 = tpu.memref_slice %arg4[%dma_start3A_34, %dma_start3A_35, %dma_start3A_36] : memref<4x64x256xf32, #tpu.memory_space<vmem>> -> memref<1x64x256xf32, #tpu.memory_space<vmem>>
    %dma_start3A_38 = tpu.memref_squeeze %dma_start3A_37 : memref<1x64x256xf32, #tpu.memory_space<vmem>> -> memref<64x256xf32, #tpu.memory_space<vmem>>
    %dma_start3A_39 = arith.constant 0 : i32
    %dma_start3A_40 = tpu.memref_slice %arg2[%add3A_33, %dma_start3A_39] : memref<262144x256xf32, #tpu.memory_space<hbm>> -> memref<64x256xf32, #tpu.memory_space<hbm>>
    %dma_start3A_41 = arith.constant 0 : i32
    %dma_start3A_42 = arith.constant 0 : i32
    %dma_start3A_43 = tpu.memref_slice %arg4[%dma_start3A_34, %dma_start3A_41, %dma_start3A_42] : memref<4x64x256xf32, #tpu.memory_space<vmem>> -> memref<1x64x256xf32, #tpu.memory_space<vmem>>
    %dma_start3A_44 = tpu.memref_squeeze %dma_start3A_43 : memref<1x64x256xf32, #tpu.memory_space<vmem>> -> memref<64x256xf32, #tpu.memory_space<vmem>>
    %dma_start3A_45 = arith.constant 0 : i32
    %dma_start3A_46 = tpu.memref_slice %arg2[%add3A_33, %dma_start3A_45] : memref<262144x256xf32, #tpu.memory_space<hbm>> -> memref<64x256xf32, #tpu.memory_space<hbm>>
    tpu.enqueue_dma source(%dma_start3A_46 : memref<64x256xf32, #tpu.memory_space<hbm>>) target(%dma_start3A_44 : memref<64x256xf32, #tpu.memory_space<vmem>>) target_semaphore(%arg7 : memref<!tpu.dma_semaphore, #tpu.memory_space<semaphore_mem>>)
    %add3A_47 = arith.constant 192 : i32
    %add3A_48 = arith.addi %mul3A_2, %add3A_47 : i32
    %dma_start3A_49 = arith.constant 3 : i32
    %dma_start3A_50 = arith.constant 0 : i32
    %dma_start3A_51 = arith.constant 0 : i32
    %dma_start3A_52 = tpu.memref_slice %arg4[%dma_start3A_49, %dma_start3A_50, %dma_start3A_51] : memref<4x64x256xf32, #tpu.memory_space<vmem>> -> memref<1x64x256xf32, #tpu.memory_space<vmem>>
    %dma_start3A_53 = tpu.memref_squeeze %dma_start3A_52 : memref<1x64x256xf32, #tpu.memory_space<vmem>> -> memref<64x256xf32, #tpu.memory_space<vmem>>
    %dma_start3A_54 = arith.constant 0 : i32
    %dma_start3A_55 = tpu.memref_slice %arg2[%add3A_48, %dma_start3A_54] : memref<262144x256xf32, #tpu.memory_space<hbm>> -> memref<64x256xf32, #tpu.memory_space<hbm>>
    %dma_start3A_56 = arith.constant 0 : i32
    %dma_start3A_57 = arith.constant 0 : i32
    %dma_start3A_58 = tpu.memref_slice %arg4[%dma_start3A_49, %dma_start3A_56, %dma_start3A_57] : memref<4x64x256xf32, #tpu.memory_space<vmem>> -> memref<1x64x256xf32, #tpu.memory_space<vmem>>
    %dma_start3A_59 = tpu.memref_squeeze %dma_start3A_58 : memref<1x64x256xf32, #tpu.memory_space<vmem>> -> memref<64x256xf32, #tpu.memory_space<vmem>>
    %dma_start3A_60 = arith.constant 0 : i32
    %dma_start3A_61 = tpu.memref_slice %arg2[%add3A_48, %dma_start3A_60] : memref<262144x256xf32, #tpu.memory_space<hbm>> -> memref<64x256xf32, #tpu.memory_space<hbm>>
    tpu.enqueue_dma source(%dma_start3A_61 : memref<64x256xf32, #tpu.memory_space<hbm>>) target(%dma_start3A_59 : memref<64x256xf32, #tpu.memory_space<vmem>>) target_semaphore(%arg8 : memref<!tpu.dma_semaphore, #tpu.memory_space<semaphore_mem>>)
    %scan3A = arith.constant 0 : i32
    %scan3A_62 = arith.constant 0 : i32
    %scan3A_63 = arith.constant 32 : i32
    %scan3A_64 = arith.addi %scan3A_62, %scan3A_63 : i32
    %scan3A_65 = arith.constant 1 : i32
    scf.for %scan3A_67 = %scan3A_62 to %scan3A_64 step %scan3A_65  : i32 {
      %mul3A_68 = arith.constant 4 : i32
      %mul3A_69 = arith.muli %mul3A_68, %scan3A_67 : i32
      %add3A_70 = arith.constant 0 : i32
      %add3A_71 = arith.addi %mul3A_69, %add3A_70 : i32
      %mul3A_72 = arith.constant 64 : i32
      %mul3A_73 = arith.muli %add3A_71, %mul3A_72 : i32
      %add3A_74 = arith.addi %mul3A_2, %mul3A_73 : i32
      %dma_wait3A = arith.constant 0 : i32
      %dma_wait3A_75 = arith.constant 0 : i32
      %dma_wait3A_76 = arith.constant 0 : i32
      %dma_wait3A_77 = tpu.memref_slice %arg4[%dma_wait3A, %dma_wait3A_75, %dma_wait3A_76] : memref<4x64x256xf32, #tpu.memory_space<vmem>> -> memref<1x64x256xf32, #tpu.memory_space<vmem>>
      %dma_wait3A_78 = tpu.memref_squeeze %dma_wait3A_77 : memref<1x64x256xf32, #tpu.memory_space<vmem>> -> memref<64x256xf32, #tpu.memory_space<vmem>>
      %dma_wait3A_79 = arith.constant 0 : i32
      %dma_wait3A_80 = tpu.memref_slice %arg2[%add3A_74, %dma_wait3A_79] : memref<262144x256xf32, #tpu.memory_space<hbm>> -> memref<64x256xf32, #tpu.memory_space<hbm>>
      %dma_wait3A_81 = arith.constant 0 : i32
      %dma_wait3A_82 = arith.constant 0 : i32
      %dma_wait3A_83 = tpu.memref_slice %arg4[%dma_wait3A, %dma_wait3A_81, %dma_wait3A_82] : memref<4x64x256xf32, #tpu.memory_space<vmem>> -> memref<1x64x256xf32, #tpu.memory_space<vmem>>
      %dma_wait3A_84 = tpu.memref_squeeze %dma_wait3A_83 : memref<1x64x256xf32, #tpu.memory_space<vmem>> -> memref<64x256xf32, #tpu.memory_space<vmem>>
      %dma_wait3A_85 = arith.constant 0 : i32
      %dma_wait3A_86 = tpu.memref_slice %arg2[%add3A_74, %dma_wait3A_85] : memref<262144x256xf32, #tpu.memory_space<hbm>> -> memref<64x256xf32, #tpu.memory_space<hbm>>
      tpu.wait_dma2 semaphore(%arg5 : memref<!tpu.dma_semaphore, #tpu.memory_space<semaphore_mem>>) src(%dma_wait3A_86 : memref<64x256xf32, #tpu.memory_space<hbm>>) dst(%dma_wait3A_84 : memref<64x256xf32, #tpu.memory_space<vmem>>)
      %add3A_87 = arith.constant 4 : i32
      %add3A_88 = arith.addi %add3A_71, %add3A_87 : i32
      %lt3A = arith.constant 128 : i32
      %lt3A_89 = arith.cmpi slt, %add3A_88, %lt3A : i32
      %convert_element_type3A = arith.extui %lt3A_89 : i1 to i32
      %cond3A = arith.constant 0 : i32
      %cond3A_90 = arith.cmpi ne, %convert_element_type3A, %cond3A : i32
      scf.if %cond3A_90 {
        %add3A_172 = arith.constant 4 : i32
        %add3A_173 = arith.addi %add3A_71, %add3A_172 : i32
        %mul3A_174 = arith.constant 64 : i32
        %mul3A_175 = arith.muli %add3A_173, %mul3A_174 : i32
        %add3A_176 = arith.addi %mul3A_2, %mul3A_175 : i32
        %dma_start3A_177 = arith.constant 0 : i32
        %dma_start3A_178 = arith.constant 0 : i32
        %dma_start3A_179 = arith.constant 0 : i32
        %dma_start3A_180 = tpu.memref_slice %arg4[%dma_start3A_177, %dma_start3A_178, %dma_start3A_179] : memref<4x64x256xf32, #tpu.memory_space<vmem>> -> memref<1x64x256xf32, #tpu.memory_space<vmem>>
        %dma_start3A_181 = tpu.memref_squeeze %dma_start3A_180 : memref<1x64x256xf32, #tpu.memory_space<vmem>> -> memref<64x256xf32, #tpu.memory_space<vmem>>
        %dma_start3A_182 = arith.constant 0 : i32
        %dma_start3A_183 = tpu.memref_slice %arg2[%add3A_176, %dma_start3A_182] : memref<262144x256xf32, #tpu.memory_space<hbm>> -> memref<64x256xf32, #tpu.memory_space<hbm>>
        %dma_start3A_184 = arith.constant 0 : i32
        %dma_start3A_185 = arith.constant 0 : i32
        %dma_start3A_186 = tpu.memref_slice %arg4[%dma_start3A_177, %dma_start3A_184, %dma_start3A_185] : memref<4x64x256xf32, #tpu.memory_space<vmem>> -> memref<1x64x256xf32, #tpu.memory_space<vmem>>
        %dma_start3A_187 = tpu.memref_squeeze %dma_start3A_186 : memref<1x64x256xf32, #tpu.memory_space<vmem>> -> memref<64x256xf32, #tpu.memory_space<vmem>>
        %dma_start3A_188 = arith.constant 0 : i32
        %dma_start3A_189 = tpu.memref_slice %arg2[%add3A_176, %dma_start3A_188] : memref<262144x256xf32, #tpu.memory_space<hbm>> -> memref<64x256xf32, #tpu.memory_space<hbm>>
        tpu.enqueue_dma source(%dma_start3A_189 : memref<64x256xf32, #tpu.memory_space<hbm>>) target(%dma_start3A_187 : memref<64x256xf32, #tpu.memory_space<vmem>>) target_semaphore(%arg5 : memref<!tpu.dma_semaphore, #tpu.memory_space<semaphore_mem>>)
      } else {
      }
      %mul3A_91 = arith.constant 4 : i32
      %mul3A_92 = arith.muli %mul3A_91, %scan3A_67 : i32
      %add3A_93 = arith.constant 1 : i32
      %add3A_94 = arith.addi %mul3A_92, %add3A_93 : i32
      %mul3A_95 = arith.constant 64 : i32
      %mul3A_96 = arith.muli %add3A_94, %mul3A_95 : i32
      %add3A_97 = arith.addi %mul3A_2, %mul3A_96 : i32
      %dma_wait3A_98 = arith.constant 1 : i32
      %dma_wait3A_99 = arith.constant 0 : i32
      %dma_wait3A_100 = arith.constant 0 : i32
      %dma_wait3A_101 = tpu.memref_slice %arg4[%dma_wait3A_98, %dma_wait3A_99, %dma_wait3A_100] : memref<4x64x256xf32, #tpu.memory_space<vmem>> -> memref<1x64x256xf32, #tpu.memory_space<vmem>>
      %dma_wait3A_102 = tpu.memref_squeeze %dma_wait3A_101 : memref<1x64x256xf32, #tpu.memory_space<vmem>> -> memref<64x256xf32, #tpu.memory_space<vmem>>
      %dma_wait3A_103 = arith.constant 0 : i32
      %dma_wait3A_104 = tpu.memref_slice %arg2[%add3A_97, %dma_wait3A_103] : memref<262144x256xf32, #tpu.memory_space<hbm>> -> memref<64x256xf32, #tpu.memory_space<hbm>>
      %dma_wait3A_105 = arith.constant 0 : i32
      %dma_wait3A_106 = arith.constant 0 : i32
      %dma_wait3A_107 = tpu.memref_slice %arg4[%dma_wait3A_98, %dma_wait3A_105, %dma_wait3A_106] : memref<4x64x256xf32, #tpu.memory_space<vmem>> -> memref<1x64x256xf32, #tpu.memory_space<vmem>>
      %dma_wait3A_108 = tpu.memref_squeeze %dma_wait3A_107 : memref<1x64x256xf32, #tpu.memory_space<vmem>> -> memref<64x256xf32, #tpu.memory_space<vmem>>
      %dma_wait3A_109 = arith.constant 0 : i32
      %dma_wait3A_110 = tpu.memref_slice %arg2[%add3A_97, %dma_wait3A_109] : memref<262144x256xf32, #tpu.memory_space<hbm>> -> memref<64x256xf32, #tpu.memory_space<hbm>>
      tpu.wait_dma2 semaphore(%arg6 : memref<!tpu.dma_semaphore, #tpu.memory_space<semaphore_mem>>) src(%dma_wait3A_110 : memref<64x256xf32, #tpu.memory_space<hbm>>) dst(%dma_wait3A_108 : memref<64x256xf32, #tpu.memory_space<vmem>>)
      %add3A_111 = arith.constant 4 : i32
      %add3A_112 = arith.addi %add3A_94, %add3A_111 : i32
      %lt3A_113 = arith.constant 128 : i32
      %lt3A_114 = arith.cmpi slt, %add3A_112, %lt3A_113 : i32
      %convert_element_type3A_115 = arith.extui %lt3A_114 : i1 to i32
      %cond3A_116 = arith.constant 0 : i32
      %cond3A_117 = arith.cmpi ne, %convert_element_type3A_115, %cond3A_116 : i32
      scf.if %cond3A_117 {
        %add3A_172 = arith.constant 4 : i32
        %add3A_173 = arith.addi %add3A_94, %add3A_172 : i32
        %mul3A_174 = arith.constant 64 : i32
        %mul3A_175 = arith.muli %add3A_173, %mul3A_174 : i32
        %add3A_176 = arith.addi %mul3A_2, %mul3A_175 : i32
        %dma_start3A_177 = arith.constant 1 : i32
        %dma_start3A_178 = arith.constant 0 : i32
        %dma_start3A_179 = arith.constant 0 : i32
        %dma_start3A_180 = tpu.memref_slice %arg4[%dma_start3A_177, %dma_start3A_178, %dma_start3A_179] : memref<4x64x256xf32, #tpu.memory_space<vmem>> -> memref<1x64x256xf32, #tpu.memory_space<vmem>>
        %dma_start3A_181 = tpu.memref_squeeze %dma_start3A_180 : memref<1x64x256xf32, #tpu.memory_space<vmem>> -> memref<64x256xf32, #tpu.memory_space<vmem>>
        %dma_start3A_182 = arith.constant 0 : i32
        %dma_start3A_183 = tpu.memref_slice %arg2[%add3A_176, %dma_start3A_182] : memref<262144x256xf32, #tpu.memory_space<hbm>> -> memref<64x256xf32, #tpu.memory_space<hbm>>
        %dma_start3A_184 = arith.constant 0 : i32
        %dma_start3A_185 = arith.constant 0 : i32
        %dma_start3A_186 = tpu.memref_slice %arg4[%dma_start3A_177, %dma_start3A_184, %dma_start3A_185] : memref<4x64x256xf32, #tpu.memory_space<vmem>> -> memref<1x64x256xf32, #tpu.memory_space<vmem>>
        %dma_start3A_187 = tpu.memref_squeeze %dma_start3A_186 : memref<1x64x256xf32, #tpu.memory_space<vmem>> -> memref<64x256xf32, #tpu.memory_space<vmem>>
        %dma_start3A_188 = arith.constant 0 : i32
        %dma_start3A_189 = tpu.memref_slice %arg2[%add3A_176, %dma_start3A_188] : memref<262144x256xf32, #tpu.memory_space<hbm>> -> memref<64x256xf32, #tpu.memory_space<hbm>>
        tpu.enqueue_dma source(%dma_start3A_189 : memref<64x256xf32, #tpu.memory_space<hbm>>) target(%dma_start3A_187 : memref<64x256xf32, #tpu.memory_space<vmem>>) target_semaphore(%arg6 : memref<!tpu.dma_semaphore, #tpu.memory_space<semaphore_mem>>)
      } else {
      }
      %mul3A_118 = arith.constant 4 : i32
      %mul3A_119 = arith.muli %mul3A_118, %scan3A_67 : i32
      %add3A_120 = arith.constant 2 : i32
      %add3A_121 = arith.addi %mul3A_119, %add3A_120 : i32
      %mul3A_122 = arith.constant 64 : i32
      %mul3A_123 = arith.muli %add3A_121, %mul3A_122 : i32
      %add3A_124 = arith.addi %mul3A_2, %mul3A_123 : i32
      %dma_wait3A_125 = arith.constant 2 : i32
      %dma_wait3A_126 = arith.constant 0 : i32
      %dma_wait3A_127 = arith.constant 0 : i32
      %dma_wait3A_128 = tpu.memref_slice %arg4[%dma_wait3A_125, %dma_wait3A_126, %dma_wait3A_127] : memref<4x64x256xf32, #tpu.memory_space<vmem>> -> memref<1x64x256xf32, #tpu.memory_space<vmem>>
      %dma_wait3A_129 = tpu.memref_squeeze %dma_wait3A_128 : memref<1x64x256xf32, #tpu.memory_space<vmem>> -> memref<64x256xf32, #tpu.memory_space<vmem>>
      %dma_wait3A_130 = arith.constant 0 : i32
      %dma_wait3A_131 = tpu.memref_slice %arg2[%add3A_124, %dma_wait3A_130] : memref<262144x256xf32, #tpu.memory_space<hbm>> -> memref<64x256xf32, #tpu.memory_space<hbm>>
      %dma_wait3A_132 = arith.constant 0 : i32
      %dma_wait3A_133 = arith.constant 0 : i32
      %dma_wait3A_134 = tpu.memref_slice %arg4[%dma_wait3A_125, %dma_wait3A_132, %dma_wait3A_133] : memref<4x64x256xf32, #tpu.memory_space<vmem>> -> memref<1x64x256xf32, #tpu.memory_space<vmem>>
      %dma_wait3A_135 = tpu.memref_squeeze %dma_wait3A_134 : memref<1x64x256xf32, #tpu.memory_space<vmem>> -> memref<64x256xf32, #tpu.memory_space<vmem>>
      %dma_wait3A_136 = arith.constant 0 : i32
      %dma_wait3A_137 = tpu.memref_slice %arg2[%add3A_124, %dma_wait3A_136] : memref<262144x256xf32, #tpu.memory_space<hbm>> -> memref<64x256xf32, #tpu.memory_space<hbm>>
      tpu.wait_dma2 semaphore(%arg7 : memref<!tpu.dma_semaphore, #tpu.memory_space<semaphore_mem>>) src(%dma_wait3A_137 : memref<64x256xf32, #tpu.memory_space<hbm>>) dst(%dma_wait3A_135 : memref<64x256xf32, #tpu.memory_space<vmem>>)
      %add3A_138 = arith.constant 4 : i32
      %add3A_139 = arith.addi %add3A_121, %add3A_138 : i32
      %lt3A_140 = arith.constant 128 : i32
      %lt3A_141 = arith.cmpi slt, %add3A_139, %lt3A_140 : i32
      %convert_element_type3A_142 = arith.extui %lt3A_141 : i1 to i32
      %cond3A_143 = arith.constant 0 : i32
      %cond3A_144 = arith.cmpi ne, %convert_element_type3A_142, %cond3A_143 : i32
      scf.if %cond3A_144 {
        %add3A_172 = arith.constant 4 : i32
        %add3A_173 = arith.addi %add3A_121, %add3A_172 : i32
        %mul3A_174 = arith.constant 64 : i32
        %mul3A_175 = arith.muli %add3A_173, %mul3A_174 : i32
        %add3A_176 = arith.addi %mul3A_2, %mul3A_175 : i32
        %dma_start3A_177 = arith.constant 2 : i32
        %dma_start3A_178 = arith.constant 0 : i32
        %dma_start3A_179 = arith.constant 0 : i32
        %dma_start3A_180 = tpu.memref_slice %arg4[%dma_start3A_177, %dma_start3A_178, %dma_start3A_179] : memref<4x64x256xf32, #tpu.memory_space<vmem>> -> memref<1x64x256xf32, #tpu.memory_space<vmem>>
        %dma_start3A_181 = tpu.memref_squeeze %dma_start3A_180 : memref<1x64x256xf32, #tpu.memory_space<vmem>> -> memref<64x256xf32, #tpu.memory_space<vmem>>
        %dma_start3A_182 = arith.constant 0 : i32
        %dma_start3A_183 = tpu.memref_slice %arg2[%add3A_176, %dma_start3A_182] : memref<262144x256xf32, #tpu.memory_space<hbm>> -> memref<64x256xf32, #tpu.memory_space<hbm>>
        %dma_start3A_184 = arith.constant 0 : i32
        %dma_start3A_185 = arith.constant 0 : i32
        %dma_start3A_186 = tpu.memref_slice %arg4[%dma_start3A_177, %dma_start3A_184, %dma_start3A_185] : memref<4x64x256xf32, #tpu.memory_space<vmem>> -> memref<1x64x256xf32, #tpu.memory_space<vmem>>
        %dma_start3A_187 = tpu.memref_squeeze %dma_start3A_186 : memref<1x64x256xf32, #tpu.memory_space<vmem>> -> memref<64x256xf32, #tpu.memory_space<vmem>>
        %dma_start3A_188 = arith.constant 0 : i32
        %dma_start3A_189 = tpu.memref_slice %arg2[%add3A_176, %dma_start3A_188] : memref<262144x256xf32, #tpu.memory_space<hbm>> -> memref<64x256xf32, #tpu.memory_space<hbm>>
        tpu.enqueue_dma source(%dma_start3A_189 : memref<64x256xf32, #tpu.memory_space<hbm>>) target(%dma_start3A_187 : memref<64x256xf32, #tpu.memory_space<vmem>>) target_semaphore(%arg7 : memref<!tpu.dma_semaphore, #tpu.memory_space<semaphore_mem>>)
      } else {
      }
      %mul3A_145 = arith.constant 4 : i32
      %mul3A_146 = arith.muli %mul3A_145, %scan3A_67 : i32
      %add3A_147 = arith.constant 3 : i32
      %add3A_148 = arith.addi %mul3A_146, %add3A_147 : i32
      %mul3A_149 = arith.constant 64 : i32
      %mul3A_150 = arith.muli %add3A_148, %mul3A_149 : i32
      %add3A_151 = arith.addi %mul3A_2, %mul3A_150 : i32
      %dma_wait3A_152 = arith.constant 3 : i32
      %dma_wait3A_153 = arith.constant 0 : i32
      %dma_wait3A_154 = arith.constant 0 : i32
      %dma_wait3A_155 = tpu.memref_slice %arg4[%dma_wait3A_152, %dma_wait3A_153, %dma_wait3A_154] : memref<4x64x256xf32, #tpu.memory_space<vmem>> -> memref<1x64x256xf32, #tpu.memory_space<vmem>>
      %dma_wait3A_156 = tpu.memref_squeeze %dma_wait3A_155 : memref<1x64x256xf32, #tpu.memory_space<vmem>> -> memref<64x256xf32, #tpu.memory_space<vmem>>
      %dma_wait3A_157 = arith.constant 0 : i32
      %dma_wait3A_158 = tpu.memref_slice %arg2[%add3A_151, %dma_wait3A_157] : memref<262144x256xf32, #tpu.memory_space<hbm>> -> memref<64x256xf32, #tpu.memory_space<hbm>>
      %dma_wait3A_159 = arith.constant 0 : i32
      %dma_wait3A_160 = arith.constant 0 : i32
      %dma_wait3A_161 = tpu.memref_slice %arg4[%dma_wait3A_152, %dma_wait3A_159, %dma_wait3A_160] : memref<4x64x256xf32, #tpu.memory_space<vmem>> -> memref<1x64x256xf32, #tpu.memory_space<vmem>>
      %dma_wait3A_162 = tpu.memref_squeeze %dma_wait3A_161 : memref<1x64x256xf32, #tpu.memory_space<vmem>> -> memref<64x256xf32, #tpu.memory_space<vmem>>
      %dma_wait3A_163 = arith.constant 0 : i32
      %dma_wait3A_164 = tpu.memref_slice %arg2[%add3A_151, %dma_wait3A_163] : memref<262144x256xf32, #tpu.memory_space<hbm>> -> memref<64x256xf32, #tpu.memory_space<hbm>>
      tpu.wait_dma2 semaphore(%arg8 : memref<!tpu.dma_semaphore, #tpu.memory_space<semaphore_mem>>) src(%dma_wait3A_164 : memref<64x256xf32, #tpu.memory_space<hbm>>) dst(%dma_wait3A_162 : memref<64x256xf32, #tpu.memory_space<vmem>>)
      %add3A_165 = arith.constant 4 : i32
      %add3A_166 = arith.addi %add3A_148, %add3A_165 : i32
      %lt3A_167 = arith.constant 128 : i32
      %lt3A_168 = arith.cmpi slt, %add3A_166, %lt3A_167 : i32
      %convert_element_type3A_169 = arith.extui %lt3A_168 : i1 to i32
      %cond3A_170 = arith.constant 0 : i32
      %cond3A_171 = arith.cmpi ne, %convert_element_type3A_169, %cond3A_170 : i32
      scf.if %cond3A_171 {
        %add3A_172 = arith.constant 4 : i32
        %add3A_173 = arith.addi %add3A_148, %add3A_172 : i32
        %mul3A_174 = arith.constant 64 : i32
        %mul3A_175 = arith.muli %add3A_173, %mul3A_174 : i32
        %add3A_176 = arith.addi %mul3A_2, %mul3A_175 : i32
        %dma_start3A_177 = arith.constant 3 : i32
        %dma_start3A_178 = arith.constant 0 : i32
        %dma_start3A_179 = arith.constant 0 : i32
        %dma_start3A_180 = tpu.memref_slice %arg4[%dma_start3A_177, %dma_start3A_178, %dma_start3A_179] : memref<4x64x256xf32, #tpu.memory_space<vmem>> -> memref<1x64x256xf32, #tpu.memory_space<vmem>>
        %dma_start3A_181 = tpu.memref_squeeze %dma_start3A_180 : memref<1x64x256xf32, #tpu.memory_space<vmem>> -> memref<64x256xf32, #tpu.memory_space<vmem>>
        %dma_start3A_182 = arith.constant 0 : i32
        %dma_start3A_183 = tpu.memref_slice %arg2[%add3A_176, %dma_start3A_182] : memref<262144x256xf32, #tpu.memory_space<hbm>> -> memref<64x256xf32, #tpu.memory_space<hbm>>
        %dma_start3A_184 = arith.constant 0 : i32
        %dma_start3A_185 = arith.constant 0 : i32
        %dma_start3A_186 = tpu.memref_slice %arg4[%dma_start3A_177, %dma_start3A_184, %dma_start3A_185] : memref<4x64x256xf32, #tpu.memory_space<vmem>> -> memref<1x64x256xf32, #tpu.memory_space<vmem>>
        %dma_start3A_187 = tpu.memref_squeeze %dma_start3A_186 : memref<1x64x256xf32, #tpu.memory_space<vmem>> -> memref<64x256xf32, #tpu.memory_space<vmem>>
        %dma_start3A_188 = arith.constant 0 : i32
        %dma_start3A_189 = tpu.memref_slice %arg2[%add3A_176, %dma_start3A_188] : memref<262144x256xf32, #tpu.memory_space<hbm>> -> memref<64x256xf32, #tpu.memory_space<hbm>>
        tpu.enqueue_dma source(%dma_start3A_189 : memref<64x256xf32, #tpu.memory_space<hbm>>) target(%dma_start3A_187 : memref<64x256xf32, #tpu.memory_space<vmem>>) target_semaphore(%arg8 : memref<!tpu.dma_semaphore, #tpu.memory_space<semaphore_mem>>)
      } else {
      }
    }
    %scan3A_66 = arith.constant 32 : i32
    return
  }
}

module attributes {stable_mosaic.version = 14 : i64} {
  func.func @_tc_body(%arg0: i32, %arg1: memref<8192x256xf32, #tpu.memory_space<vmem>>, %arg2: memref<512x512xf32, #tpu.memory_space<vmem>>, %arg3: memref<1xf32, #tpu.memory_space<smem>>) attributes {dimension_semantics = [#tpu.dimension_semantics<arbitrary>], iteration_bounds = array<i64: 32>, scalar_prefetch = 0 : i64, scratch_operands = 1 : i64, tpu.core_type = #tpu.core_type<tc>, window_params = [{transform_indices = @transform_0, window_bounds = array<i64: 8192, 256>}, {pipeline_mode = #tpu.pipeline_mode<synchronous>, transform_indices = @transform_1, window_bounds = array<i64: 512, 512>}]} {
    %eq3A = arith.constant 0 : i32
    %eq3A_0 = arith.cmpi eq, %arg0, %eq3A : i32
    %convert_element_type3A = arith.extui %eq3A_0 : i1 to i32
    %cond3A = arith.constant 0 : i32
    %cond3A_1 = arith.cmpi ne, %convert_element_type3A, %cond3A : i32
    scf.if %cond3A_1 {
      %swap3A_13 = arith.constant 0.000000e+00 : f32
      %swap3A_14 = arith.constant 0 : index
      %swap3A_15 = memref.load %arg3[%swap3A_14] : memref<1xf32, #tpu.memory_space<smem>>
      memref.store %swap3A_13, %arg3[%swap3A_14] : memref<1xf32, #tpu.memory_space<smem>>
    } else {
    }
    %get3A = arith.constant 0 : index
    %get3A_2 = memref.load %arg3[%get3A] : memref<1xf32, #tpu.memory_space<smem>>
    %get3A_3 = arith.constant 0 : index
    %get3A_4 = arith.constant 0 : index
    %get3A_5 = vector.load %arg1[%get3A_3, %get3A_4] : memref<8192x256xf32, #tpu.memory_space<vmem>>, vector<1x1xf32>
    %get3A_6 = vector.extract %get3A_5[0, 0] : f32 from vector<1x1xf32>
    %add3A = arith.addf %get3A_2, %get3A_6 : f32
    %swap3A = arith.constant 0 : index
    %swap3A_7 = memref.load %arg3[%swap3A] : memref<1xf32, #tpu.memory_space<smem>>
    memref.store %add3A, %arg3[%swap3A] : memref<1xf32, #tpu.memory_space<smem>>
    %eq3A_8 = arith.constant 31 : i32
    %eq3A_9 = arith.cmpi eq, %arg0, %eq3A_8 : i32
    %convert_element_type3A_10 = arith.extui %eq3A_9 : i1 to i32
    %cond3A_11 = arith.constant 0 : i32
    %cond3A_12 = arith.cmpi ne, %convert_element_type3A_10, %cond3A_11 : i32
    scf.if %cond3A_12 {
      %get3A_13 = arith.constant 0 : index
      %get3A_14 = memref.load %arg3[%get3A_13] : memref<1xf32, #tpu.memory_space<smem>>
      %broadcast_in_dim3A = vector.broadcast %get3A_14 : f32 to vector<512x512xf32>
      %swap3A_15 = arith.constant 0 : index
      %swap3A_16 = arith.constant 0 : index
      %swap3A_17 = vector.load %arg2[%swap3A_15, %swap3A_16] : memref<512x512xf32, #tpu.memory_space<vmem>>, vector<512x512xf32>
      tpu.vector_store %arg2[%swap3A_15, %swap3A_16], %broadcast_in_dim3A {strides = array<i32>} : memref<512x512xf32, #tpu.memory_space<vmem>>, vector<512x512xf32>,
    } else {
    }
    return
  }
  func.func @transform_0(%arg0: i32) -> (i32, i32) {
    %c0_i32 = arith.constant 0 : i32
    %c0_i32_0 = arith.constant 0 : i32
    return %arg0, %c0_i32 : i32, i32
  }
  func.func @transform_1(%arg0: i32) -> (i32, i32) {
    %c0_i32 = arith.constant 0 : i32
    %c0_i32_0 = arith.constant 0 : i32
    %c0_i32_1 = arith.constant 0 : i32
    return %c0_i32, %c0_i32_0 : i32, i32
  }
}

</mosaic_0001>

<sc_bundles>
// kernel: kernel.4.cloned.1.call-start
scs
__scs_entry_jumppad:
0x0: {  	(pc) =	sbr.rel $0x88, $3  }
0x1: {  	(tag) =	ssettag $0x0;
	lr =	simm.s32 $0x1  }
0x2: {  	[smem:$0x3FA0] =	sst lr;
	_ =	strace $0xD0000000  }
0x3: {  	_ = 	snop  }
0x4: {  	_ = 	snop  }
0x5: {  	_ = 	snop  }
0x6: {  	_ = 	snop  }
0x7: {  	_ = 	snop  }
__scs_overlays_trampoline_lowered:
0x8: {  	[smem:$0x3FAF] =	sst s0  }
0x9: {  	[smem:$0x3FB0] =	sst s1  }
0xa: {  	[smem:$0x3FB1] =	sst s2  }
0xb: {  	[smem:$0x3FB2] =	sst s3  }
0xc: {  	[smem:$0x3FB3] =	sst s4  }
0xd: {  	[smem:$0x3FB4] =	sst s5  }
0xe: {  	[smem:$0x3FB5] =	sst s6  }
0xf: {  	[smem:$0x3FB6] =	sst s7  }
0x10: {  	[smem:$0x3FB7] =	sst s8  }
0x11: {  	[smem:$0x3FB8] =	sst s9;
	s0 =	simm.s32 @!p0 $0x0  }
0x12: {  	s1 =	sld [smem:$0x3F9E];
	s0 =	simm.s32 @p0 $0x1  }
0x13: {  	[smem:$0x3FB9] =	sst s0;
	s0 =	simm.s32 @!p1 $0x0  }
0x14: {  	s2 =	sld [smem:$0x3F9D];
	s0 =	simm.s32 @p1 $0x1  }
0x15: {  	[smem:$0x3FBA] =	sst s0;
	s0 =	simm.s32 @!p2 $0x0  }
0x16: {  	s3 =	sld [smem:$0x3FDB];
	s0 =	simm.s32 @p2 $0x1  }
0x17: {  	s4 =	simm.s32 $0x1BF5;
	[smem:$0x3FBC] =	sst s0  }
0x18: {  	s0 =	sld [smem:$0x3F9F];
	_ =	swait.ge [sflag:s4], $0x0  }
0x19: {  	s7 =	sld [smem:$0x3FA0]  }
0x1a: {  	s8 =	sadd.s32 $0xFFFFE003, lr  }
0x1b: {  	s9 =	sadd.s32 $0xFFFFFEF7, lr;
	s5 =	simm.s32 $0xFFFFFFFF;
	p2 =	slt.u32 s8, $0xFFFFF086  }
0x1c: {  	p1 =	slt.u32 s9, $0xF7A;
	s5 =	simm.s32 @!p2 $0x0  }
0x1d: {  	s5 =	simm.s32 @p1 $0x1;
	p0 =	seq.s32 s7, s2  }
0x1e: {  	s7 =	smul.u32 @!p0 $0xF7A, s2;
	p2 =	seq.s32 @!p0 s5, $0x0  }
0x1f: {  	s9 =	smul.u32 $0xF7A, s1;
	s8 =	simm.s32 @!p0 $0x1BF5;
	p2 =	por !p2, p0  }
0x20: {  	[sflag:s8] =	ssyncset.s32 @!p0 $0xFFFFF086;
	s6 =	sadd.s32 @!p0 s3, s7;
	s7 =	simm.s32 @!p0 $0x108  }
0x21: {  	s3 =	sadd.s32 s3, s9;
	s6 =	sadd.s32 @!p0 $0x88, s6;
	s7 =	simm.s32 @p2 $0x1082  }
0x22: {  	[simem:s7], [sflag:s8] =	dma.local @!p0 [hbm:s6], $0xF7A  }
0x23: {  	s9 =	sor.u32 $0xD0000000, s2;
	s6 =	simm.s32 $0x108;
	_ =	swait.ge @!p0 [sflag:s8], $0x0  }
0x24: {  	s3 =	sadd.s32 $0x88, s3;
	s6 =	simm.s32 @!p1 $0x1082;
	[sflag:s4] =	ssyncset.s32 $0xFFFFF086  }
0x25: {  	[simem:s6], [sflag:s4] =	dma.local [hbm:s3], $0xF7A  }
0x26: {  	[smem:$0x3FA0] =	sst s1;
	(tag) =	ssettag s2;
	_ =	strace s9  }
0x27: {  	s1 =	sld [smem:$0x3FB0]  }
0x28: {  	s2 =	sld [smem:$0x3FB1]  }
0x29: {  	s4 =	sld [smem:$0x3FB3]  }
0x2a: {  	p0 =	seq.s32 s5, $0x0;
	s5 =	sld [smem:$0x3FB4]  }
0x2b: {  	s6 =	sld [smem:$0x3FB5]  }
0x2c: {  	s7 =	sld [smem:$0x3FB6]  }
0x2d: {  	s3 =	simm.s32 $0x108;
	s8 =	sld [smem:$0x3FB7]  }
0x2e: {  	s3 =	simm.s32 @!p0 $0x1082;
	s9 =	sld [smem:$0x3FB8]  }
0x2f: {  	lr =	sadd.s32 s0, s3;
	s0 =	sld [smem:$0x3FAF]  }
0x30: {  	s3 =	sld [smem:$0x3FB2]  }
0x31: {  	[smem:$0x3FBB] =	sst s10  }
0x32: {  	s10 =	sld [smem:$0x3FB9];
	_ =	sdelay $0x3  }
0x33: {  	p0 =	seq.s32 s10, $0x1;
	s10 =	sld [smem:$0x3FBB];
	_ =	sdelay $0x3  }
0x34: {  	[smem:$0x3FBB] =	sst s10  }
0x35: {  	s10 =	sld [smem:$0x3FBA];
	_ =	sdelay $0x3  }
0x36: {  	p1 =	seq.s32 s10, $0x1;
	s10 =	sld [smem:$0x3FBB];
	_ =	sdelay $0x3  }
0x37: {  	[smem:$0x3FBB] =	sst s10  }
0x38: {  	s10 =	sld [smem:$0x3FBC]  }
0x39: {  	_ = 	snop;
	(pc) =	sbr.ind lr, $3  }
0x3a: {  	_ = 	snop  }
0x3b: {  	_ = 	snop  }
0x3c: {  	p2 =	seq.s32 s10, $0x1;
	s10 =	sld [smem:$0x3FBB]  }
0x3d: {  	_ =	shalt  }
0x3e: {  	_ =	shalt  }
0x3f: {  	_ =	shalt  }
0x40: {  	_ =	shalt  }
0x41: {  	_ =	shalt  }
0x42: {  	_ =	shalt  }
0x43: {  	_ =	shalt  }
0x44: {  	_ =	shalt  }
0x45: {  	_ =	shalt  }
0x46: {  	_ =	shalt  }
0x47: {  	_ =	shalt  }
0x48: {  	_ =	shalt  }
0x49: {  	_ =	shalt  }
0x4a: {  	_ =	shalt  }
0x4b: {  	_ =	shalt  }
0x4c: {  	_ =	shalt  }
0x4d: {  	_ =	shalt  }
0x4e: {  	_ =	shalt  }
0x4f: {  	_ =	shalt  }
0x50: {  	_ =	shalt  }
0x51: {  	_ =	shalt  }
0x52: {  	_ =	shalt  }
0x53: {  	_ =	shalt  }
0x54: {  	_ =	shalt  }
0x55: {  	_ =	shalt  }
0x56: {  	_ =	shalt  }
0x57: {  	_ =	shalt  }
0x58: {  	_ =	shalt  }
0x59: {  	_ =	shalt  }
0x5a: {  	_ =	shalt  }
0x5b: {  	_ =	shalt  }
0x5c: {  	_ =	shalt  }
0x5d: {  	_ =	shalt  }
0x5e: {  	_ =	shalt  }
0x5f: {  	_ =	shalt  }
0x60: {  	_ =	shalt  }
0x61: {  	_ =	shalt  }
0x62: {  	_ =	shalt  }
0x63: {  	_ =	shalt  }
0x64: {  	_ =	shalt  }
0x65: {  	_ =	shalt  }
0x66: {  	_ =	shalt  }
0x67: {  	_ =	shalt  }
0x68: {  	_ =	shalt  }
0x69: {  	_ =	shalt  }
0x6a: {  	_ =	shalt  }
0x6b: {  	_ =	shalt  }
0x6c: {  	_ =	shalt  }
0x6d: {  	_ =	shalt  }
0x6e: {  	_ =	shalt  }
0x6f: {  	_ =	shalt  }
0x70: {  	_ =	shalt  }
0x71: {  	_ =	shalt  }
0x72: {  	_ =	shalt  }
0x73: {  	_ =	shalt  }
0x74: {  	_ =	shalt  }
0x75: {  	_ =	shalt  }
0x76: {  	_ =	shalt  }
0x77: {  	_ =	shalt  }
0x78: {  	_ =	shalt  }
0x79: {  	_ =	shalt  }
0x7a: {  	_ =	shalt  }
0x7b: {  	_ =	shalt  }
0x7c: {  	_ =	shalt  }
0x7d: {  	_ =	shalt  }
0x7e: {  	_ =	shalt  }
0x7f: {  	_ =	shalt  }
0x80: {  	_ =	shalt  }
0x81: {  	_ =	shalt  }
0x82: {  	_ =	shalt  }
0x83: {  	_ =	shalt  }
0x84: {  	_ =	shalt  }
0x85: {  	_ =	shalt  }
0x86: {  	_ =	shalt  }
0x87: {  	_ =	shalt  }
.Lfunc_end0:
.L_simem_size_0:
called_computation_lowered:
.L_overlay_start_0:
0x88: {  	s2 =	sld [smem:$0x3FD9]  }
0x89: {  	s3 =	sld [smem:$0x3FFE];
	_ =	sdelay $0x1  }
0x8a: {  	s1 =	srdreg.scid  }
0x8b: {  	s0 =	sand.u32 $0x1, s1  }
0x8c: {  	s18 =	sshll.u32 s0, $0xA;
	s2 =	sadd.s32 s3, s2  }
0x8d: {  	s2 =	sadd.s32 s2, s18  }
0x8e: {  	[smem:$0x3FC7] =	sst s2  }
0x8f: {  	_ = 	snop  }
0x90: {  	s2 =	sld [smem:$0x3FC9];
	(tm) =	ssettm $0x1  }
0x91: {  	s19 =	sld [smem:$0x3FFB];
	_ =	sdelay $0x3  }
0x92: {  	_ =	strace s19  }
0x93: {  	s3 =	sld [smem:$0x3FFC];
	_ =	sdelay $0x3  }
0x94: {  	_ =	strace s3  }
0x95: {  	s3 =	sld [smem:$0x3FFD];
	_ =	sdelay $0x3  }
0x96: {  	_ =	strace s3  }
0x97: {  	_ =	strace $0x8FFFFFFF  }
0x98: {  	s20 =	sld [smem:$0x3FDB];
	_ =	sdelay $0x1  }
0x99: {  	s4 =	simm.s32 $_scs_section_size  }
0x9a: {  	s5 =	simm.s32 $_size__tile_overlayer_lowered;
	s6 =	simm.s32 $_tile_overlayer_lowered  }
0x9b: {  	s23 =	simm.s32 $0x1BFF;
	s22 =	sshll.u32 s6, $0x1;
	s3 =	sadd.s32 s4, s20  }
0x9c: {  	s7 =	simm.s32 $0x0;
	s21 =	sshll.u32 s5, $0x1;
	s5 =	sadd.s32 s22, s3  }
0x9d: {  	[timem:s7], [sflag:s23] =	dma.local [hbm:s5], s21  }
0x9e: {  	_ =	swait.ge [sflag:s23], s21  }
0x9f: {  	s4 =	ssub.s32 $0x0, s21;
	[sflag:s23] =	ssyncset.done $0x0  }
0xa0: {  	[sflag:s23] =	ssyncadd.s32 s4;
	_ =	sdelay $0x1  }
0xa1: {  	s24 =	simm.s32 $0x1B8B  }
0xa2: {  	_ =	swait.ge [sflag:s24], $0x1  }
0xa3: {  	[sflag:s24] =	ssyncset.done $0x0  }
0xa4: {  	s25 =	simm.s32 $0x1B8E;
	[sflag:s24] =	ssyncadd.s32 $0xFFFFFFFF  }
0xa5: {  	s26 =	simm.s32 $execute0_lowered;
	[smem:$0x3FD2] =	sst s25  }
0xa6: {  	s4 =	sshll.u32 s26, $0x1;
	_ =	strace $0x80000046;
	[dreg:$0x1] =	wrdreg $0xFFFFFFFF  }
0xa7: {  	s28 =	simm.s32 $_size_execute0_lowered;
	s3 =	sadd.s32 s3, s4;
	[dreg:$0x0] =	wrdreg $0x0  }
0xa8: {  	s4 =	sshll.u32 s28, $0x1;
	[dreg:$0x2] =	wrdreg s3  }
0xa9: {  	[dreg:$0x3] =	wrdreg s4  }
0xaa: {  	[dreg:$0x4] =	wrdreg $0xC0  }
0xab: {  	_ =	task [dreg:s7], $0x5FFFF  }
0xac: {  	[dreg:$0x1] =	wrdreg $0xFFFFFFFF  }
0xad: {  	[dreg:$0x0] =	wrdreg $0x60  }
0xae: {  	[dreg:$0x2] =	wrdreg s2  }
0xaf: {  	[dreg:$0x3] =	wrdreg $0x9  }
0xb0: {  	_ =	task.clear_ibuf [dreg:s7], $0x4FFFF;
	_ =	strace $0x90000046  }
0xb1: {  	s29 =	simm.s32 $0x9;
	_ =	strace $0x80000048  }
0xb2: {  	_ =	swait.ge [sflag:s29], $0x1  }
0xb3: {  	[sflag:s29] =	ssyncadd.s32 $0xFFFFFFFF  }
0xb4: {  	_ =	strace $0x90000048  }
0xb5: {  	_ =	sfence  }
0xb6: {  	s30 =	sld [smem:$0x0];
	_ =	sdelay $0x2  }
0xb7: {  	s31 =	sshll.u32 s1, $0xD;
	s1 =	sshrl.u32 s1, $0x2  }
0xb8: {  	s3 =	sand.u32 $0x4000, s31;
	s1 =	sadd.s32 s1, s30  }
0xb9: {  	s0 =	sor.u32 s3, s0;
	s1 =	sshll.u32 s1, $0x11  }
0xba: {  	s0 =	sor.u32 s1, s0  }
0xbb: {  	s0 =	sadd.s32 $0x8F2B, s0  }
0xbc: {  	[sflag:s0] =	ssyncadd.remote.s32 $0x1  }
0xbd: {  	_ =	sfence.sel $0xFFFF  }
0xbe: {  	[dreg:$0x0] =	wrdreg $0xFFFFFFFF;
	(pc) =	sbr.abs _section_cstart, $3  }
0xbf: {  	[dreg:$0x1] =	wrdreg $0xFFFFFFFF  }
0xc0: {  	_ =	task.clear_ibuf [dreg:s7], $0x2FFFF;
	_ =	strace $0x9FFFFFFF  }
0xc1: {  	(tm) =	ssettm $0x7FFFFFFF  }
tec
execute0_lowered:
.L_overlay_start_1:
0x0: {  	(tag) =	ssettag $0x1  }
0x1: {  	s8 =	rddreg [dreg:$0x0];
	s2 =	srdreg.scid  }
0x2: {  	s0 =	rddreg [dreg:$0x1];
	s1 =	stileid.u32;
	s11 =	simm.s32 $0xC000  }
0x3: {  	s12 =	simm.s32 $0x1;
	s13 =	simm.s32 $0x2;
	s14 =	simm.s32 $0x3  }
0x4: {  	s15 =	simm.s32 $0x4;
	s16 =	simm.s32 $0x0;
	s3 =	sand.u32 $0x1, s2  }
0x5: {  	s2 =	simm.s32 $0x0;
	s9 =	sshll.u32 s1, $0x13;
	s10 =	sshll.u32 s3, $0x12  }
0x6: {  	[smem:$0x7FF] =	sst s2;
	s4 =	ssub.s32 $0x2, s3;
	s31 =	sor.u32 s10, s9  }
0x7: {  	_ =	strace $0x80000047;
	s5 =	sshrl.u32 s4, $0x1;
	s3 =	sadd.s32 s8, s31  }
0x8: {  	s7 =	ssub.s32 s4, s5;
	s8 =	sadd.s32 s9, s8;
	s9 =	simm.s32 $0x4000  }
0x9: {  	s4 =	sadd.s32 $0x800, s3;
	s5 =	sadd.s32 $0x1000, s3;
	s6 =	sadd.s32 $0x1800, s3  }
0xa: {  	s7 =	smax.u32 s7, $0x1;
	s8 =	sadd.s32 s10, s8;
	s10 =	simm.s32 $0x8000  }
.LBB2_1:
0xb: {  	[tilespmem:s2], [sflag:$0x1] =	stream.linear.gather [hbm4b:s3+s2], $0x4000, $0x38;
	[tilespmem:$0x10000] =	vst v63  }
0xc: {  	_ = 	snop  }
0xd: {  	[tilespmem:s9], [sflag:$0x2] =	stream.linear.gather [hbm4b:s4+s2], $0x4000, $0x38;
	[tilespmem:$0x10000] =	vst v63  }
0xe: {  	_ = 	snop  }
0xf: {  	[tilespmem:s10], [sflag:$0x3] =	stream.linear.gather [hbm4b:s5+s2], $0x4000, $0x38;
	[tilespmem:$0x10000] =	vst v63  }
0x10: {  	_ = 	snop  }
0x11: {  	[tilespmem:s11], [sflag:$0x4] =	stream.linear.gather [hbm4b:s6+s2], $0x4000, $0x38;
	[tilespmem:$0x10000] =	vst v63  }
0x12: {  	_ =	swait.ge [sflag:s12], $0x4000  }
0x13: {  	s18 =	sadd.s32 $0x0, s8;
	[sflag:s12] =	ssyncset.done $0x0  }
0x14: {  	s17 =	sadd.s32 $0x2000, s18;
	[sflag:s12] =	ssyncadd.s32 $0xFFFFC000  }
0x15: {  	[tilespmem:s2], [sflag:$0x1] =	stream.linear.gather [hbm4b:s17+s2], $0x4000, $0x38;
	[tilespmem:$0x10000] =	vst v63  }
0x16: {  	_ =	swait.ge [sflag:s13], $0x4000  }
0x17: {  	[sflag:s13] =	ssyncset.done $0x0  }
0x18: {  	s30 =	sadd.s32 $0x2800, s18;
	[sflag:s13] =	ssyncadd.s32 $0xFFFFC000  }
0x19: {  	[tilespmem:s9], [sflag:$0x2] =	stream.linear.gather [hbm4b:s30+s2], $0x4000, $0x38;
	[tilespmem:$0x10000] =	vst v63  }
0x1a: {  	_ =	swait.ge [sflag:s14], $0x4000  }
0x1b: {  	[sflag:s14] =	ssyncset.done $0x0  }
0x1c: {  	s31 =	sadd.s32 $0x3000, s18;
	[sflag:s14] =	ssyncadd.s32 $0xFFFFC000  }
0x1d: {  	[tilespmem:s10], [sflag:$0x3] =	stream.linear.gather [hbm4b:s31+s2], $0x4000, $0x38;
	[tilespmem:$0x10000] =	vst v63  }
0x1e: {  	_ =	swait.ge [sflag:s15], $0x4000  }
0x1f: {  	[sflag:s15] =	ssyncset.done $0x0  }
0x20: {  	s18 =	sadd.s32 $0x3800, s18;
	s17 =	simm.s32 $0x2000;
	[sflag:s15] =	ssyncadd.s32 $0xFFFFC000  }
.LBB2_2:
0x21: {  	[tilespmem:s11], [sflag:$0x4] =	stream.linear.gather [hbm4b:s18+s2], $0x4000, $0x38;
	[tilespmem:$0x10000] =	vst v63  }
0x22: {  	s18 =	smov.u32 s17  }
0x23: {  	p0 =	sne.s32 s17, $0x3C000;
	s17 =	sadd.s32 $0x2000, s17;
	_ =	swait.ge [sflag:s12], $0x4000  }
0x24: {  	s18 =	sadd.s32 s18, s8;
	[sflag:s12] =	ssyncset.done $0x0  }
0x25: {  	s19 =	sadd.s32 $0x2000, s18;
	[sflag:s12] =	ssyncadd.s32 $0xFFFFC000  }
0x26: {  	[tilespmem:s2], [sflag:$0x1] =	stream.linear.gather [hbm4b:s19+s2], $0x4000, $0x38;
	[tilespmem:$0x10000] =	vst v63  }
0x27: {  	_ =	swait.ge [sflag:s13], $0x4000  }
0x28: {  	[sflag:s13] =	ssyncset.done $0x0  }
0x29: {  	s19 =	sadd.s32 $0x2800, s18;
	[sflag:s13] =	ssyncadd.s32 $0xFFFFC000  }
0x2a: {  	[tilespmem:s9], [sflag:$0x2] =	stream.linear.gather [hbm4b:s19+s2], $0x4000, $0x38;
	[tilespmem:$0x10000] =	vst v63  }
0x2b: {  	_ =	swait.ge [sflag:s14], $0x4000  }
0x2c: {  	[sflag:s14] =	ssyncset.done $0x0  }
.Ltmp0:
0x2d: {  	s19 =	sadd.s32 $0x3000, s18;
	[sflag:s14] =	ssyncadd.s32 $0xFFFFC000;
	(pc) =	sbr.rel @p0 .LBB2_2-.Ltmp0, $4  }
0x2e: {  	[tilespmem:s10], [sflag:$0x3] =	stream.linear.gather [hbm4b:s19+s2], $0x4000, $0x38;
	[tilespmem:$0x10000] =	vst v63  }
0x2f: {  	_ =	swait.ge [sflag:s15], $0x4000  }
0x30: {  	[sflag:s15] =	ssyncset.done $0x0  }
0x31: {  	s18 =	sadd.s32 $0x3800, s18;
	[sflag:s15] =	ssyncadd.s32 $0xFFFFC000  }
0x32: {  	[tilespmem:s11], [sflag:$0x4] =	stream.linear.gather [hbm4b:s18+s2], $0x4000, $0x38;
	[tilespmem:$0x10000] =	vst v63  }
0x33: {  	_ =	swait.ge [sflag:s12], $0x4000  }
0x34: {  	[sflag:s12] =	ssyncset.done $0x0  }
0x35: {  	[sflag:s12] =	ssyncadd.s32 $0xFFFFC000  }
0x36: {  	_ =	swait.ge [sflag:s13], $0x4000  }
0x37: {  	[sflag:s13] =	ssyncset.done $0x0  }
0x38: {  	s16 =	sadd.s32 $0x1, s16;
	[sflag:s13] =	ssyncadd.s32 $0xFFFFC000  }
0x39: {  	p0 =	sne.s32 s16, s7;
	_ =	swait.ge [sflag:s14], $0x4000  }
.Ltmp1:
0x3a: {  	[sflag:s14] =	ssyncset.done $0x0;
	(pc) =	sbr.rel @p0 .LBB2_1-.Ltmp1, $4  }
0x3b: {  	[sflag:s14] =	ssyncadd.s32 $0xFFFFC000  }
0x3c: {  	_ =	swait.ge [sflag:s15], $0x4000  }
0x3d: {  	[sflag:s15] =	ssyncset.done $0x0  }
0x3e: {  	[sflag:s15] =	ssyncadd.s32 $0xFFFFC000  }
0x3f: {  	_ =	sfence.sel $0x180000  }
0x40: {  	[bflag:$0x0] =	sbarrier.arrive $0xFFFF  }
0x41: {  	p0 =	sne.s32 s1, $0x0;
	_ =	strace $0x90000047  }
0x42: {  	s0 =	sadd.s32 @!p0 $0x100000, s0;
	[bflag:$0x2] =	sbarrier.arrive $0xFFFF  }
0x43: {  	[sflag:s0] =	ssyncadd.tile.s32 @!p0 $0x1;
	_ =	shalt  }
.Lfunc_end2:
_tile_overlayer_lowered:
.L_overlay_start_2:
0x44: {  	(tag) =	ssettag $0x2  }
0x45: {  	s0 =	rddreg [dreg:$0x0];
	s2 =	stileid.u32  }
0x46: {  	s1 =	rddreg [dreg:$0x1];
	p0 =	sne.s32 s2, $0x0  }
0x47: {  	s3 =	rddreg [dreg:$0x2];
	[bflag:$0x3] =	sbarrier.arrive $0xFFFF;
	s2 =	simm.s32 @!p0 $0x1C05  }
0x48: {  	[timem:s3], [sflag:s2] =	dma.local @!p0 [hbm:s0], s1  }
0x49: {  	s0 =	simm.s32 @!p0 $0x5  }
0x4a: {  	_ =	swait.ge @!p0 [sflag:s0], s1  }
0x4b: {  	s1 =	ssub.s32 @!p0 $0x0, s1;
	[sflag:s0] =	ssyncset.done @!p0 $0x0  }
0x4c: {  	[sflag:s0] =	ssyncadd.s32 @!p0 s1  }
0x4d: {  	[bflag:$0x3] =	sbarrier.arrive $0xFFFF  }
0x4e: {  	_ =	shalt  }

</sc_bundles>
